<compile_context>
chip_gen: v7x
topology: tpu7x:2x2x1
jax: 0.10.2.dev20260603
libtpu: 0.0.44.dev20260713+nightly
codegen_flags: <defaults>
</compile_context>

<pallas_src>
import jax
import jax.numpy as jnp
from jax import lax
from jax.experimental import pallas as pl
from jax.experimental.pallas import tpu as pltpu
from jax.experimental.pallas import tpu_sc as plsc

B = 16
L = 4096
LANES = 16
IGNORE = -1.0


def _body(in_hbm, flat_hbm, splits_hbm, vals_v, out_v, lane_v, collect_v,
          splits_v, sem, shared):
    s = lax.axis_index("s")
    iota = lax.iota(jnp.int32, LANES)

    pltpu.sync_copy(in_hbm.at[s], vals_v)

    @plsc.parallel_loop(0, L, step=LANES, unroll=8,
                        carry=jnp.zeros((LANES,), jnp.int32))
    def cnt(i, acc):
        v = vals_v[pl.ds(i, LANES)]
        keep = v != IGNORE
        out_v[pl.ds(i, LANES)] = jnp.where(keep, v, jnp.float32(0.0))
        return acc + keep.astype(jnp.int32)
    out_dma = pltpu.make_async_copy(out_v, flat_hbm.at[s], sem)
    out_dma.start()

    length = jnp.sum(cnt)
    lane_v[...] = jnp.where(iota == s, length, 0)
    pltpu.sync_copy(lane_v, shared.at[pl.ds(s * LANES, LANES)])
    plsc.subcore_barrier()

    @pl.when(s == 0)
    def _finalize():
        pltpu.sync_copy(shared, collect_v)
        lengths = plsc.load_gather(collect_v, [iota * (LANES + 1)])
        cum = plsc.cumsum(lengths)
        splits_v[pl.ds(0, LANES)] = cum - lengths
        total = jnp.sum(lengths)
        splits_v[pl.ds(LANES, LANES)] = jnp.broadcast_to(total, (LANES,))
        pltpu.sync_copy(splits_v.at[pl.ds(0, B + 1)], splits_hbm)

    out_dma.wait()


_sc_call = pl.kernel(
    _body,
    out_type=(
        jax.ShapeDtypeStruct((B, L), jnp.float32),
        jax.ShapeDtypeStruct((B + 1,), jnp.int32),
    ),
    mesh=plsc.VectorSubcoreMesh(
        core_axis_name="c", subcore_axis_name="s", num_cores=1,
        num_subcores=16,
    ),
    scratch_types=[
        pltpu.VMEM((L,), jnp.float32),
        pltpu.VMEM((L,), jnp.float32),
        pltpu.VMEM((LANES,), jnp.int32),
        pltpu.VMEM((B * LANES,), jnp.int32),
        pltpu.VMEM((2 * LANES,), jnp.int32),
        pltpu.SemaphoreType.DMA,
        pltpu.VMEM_SHARED((B * LANES,), jnp.int32),
    ],
    compiler_params=pltpu.CompilerParams(needs_layout_passes=False),
)


def kernel(inputs):
    return _sc_call(inputs)

# --- scband reference (transcript-rebuilt; emitter-appended) ---
"""Pipeline reference for scband-dense-to-ragged-layer-87522843560494 (READ-ONLY COPY).

The authoritative reference and input builder live on the scoring server;
editing this copy changes nothing except your own understanding.
"""

import jax, jax.numpy as jnp
import numpy as np

IGNORE_VALUE = -1.0
B, L = 16, 4096

def setup_inputs(seed: int = 0) -> dict:
    key = jax.random.key(seed)
    k1, k2 = jax.random.split(key)
    vals = jax.random.normal(k1, (B, L), dtype=jnp.float32)
    # ensure no valid value accidentally equals the ignore_value
    vals = jnp.abs(vals) + 0.1
    # ragged row lengths: uniform in [1, L], ~L/2 on average -> total_tokens ~ B*L/2
    lengths = jax.random.randint(k2, (B,), 1, L + 1)
    pos = jnp.arange(L)[None, :]
    mask = pos < lengths[:, None]
    inputs = jnp.where(mask, vals, jnp.float32(IGNORE_VALUE))
    return {"inputs": inputs}

def reference(inputs):
    # Faithful translation of tf.RaggedTensor.from_tensor(inputs, padding=ignore_value)
    # for a 2-D dense tensor with a scalar padding value:
    #   - row length = 1 + index of the last element != padding (0 if all padding);
    #     i.e. only TRAILING padding is stripped, interior padding values are kept.
    #   - the RaggedTensor is represented here (JAX has no ragged type) as
    #     (flat_values_dense, row_splits): flat_values_dense holds the kept values
    #     in-place with positions beyond each row's length zeroed out; row_splits
    #     is the standard ragged row-partition [0, cumsum(row_lengths)].
    ignore = jnp.float32(-1.0)
    pos = jnp.arange(inputs.shape[1])
    not_pad = inputs != ignore
    row_lengths = jnp.max(jnp.where(not_pad, pos + 1, 0), axis=1)
    valid = pos[None, :] < row_lengths[:, None]
    flat_values_dense = jnp.where(valid, inputs, jnp.float32(0.0))
    row_splits = jnp.concatenate(
        [jnp.zeros((1,), jnp.int32), jnp.cumsum(row_lengths).astype(jnp.int32)]
    )
    return flat_values_dense, row_splits

if __name__ == "__main__":
    import jax
    _d = setup_inputs()
    print(jax.jit(kernel)(*tuple(_d.values())))

</pallas_src>

<mosaic_0001>
#map = affine_map<(d0, d1) -> (0, 0)>
#map1 = affine_map<(d0, d1) -> (0)>
module attributes {stable_mosaic.version = 14 : i64} {
  func.func @_body(%arg0: i32, %arg1: i32, %arg2: memref<16x4096xf32, #tpu.memory_space<hbm>>, %arg3: memref<16x4096xf32, #tpu.memory_space<hbm>>, %arg4: memref<17xi32, #tpu.memory_space<hbm>>, %arg5: memref<4096xf32, #tpu.memory_space<vmem>>, %arg6: memref<4096xf32, #tpu.memory_space<vmem>>, %arg7: memref<16xi32, #tpu.memory_space<vmem>>, %arg8: memref<256xi32, #tpu.memory_space<vmem>>, %arg9: memref<32xi32, #tpu.memory_space<vmem>>, %arg10: memref<!tpu.dma_semaphore, #tpu.memory_space<semaphore_mem>>, %arg11: memref<256xi32, #tpu.memory_space<vmem_shared>>) attributes {dimension_semantics = [#tpu.dimension_semantics<core_parallel>, #tpu.dimension_semantics<subcore_parallel>], iteration_bounds = array<i64: 1, 16>, scalar_prefetch = 0 : i64, scratch_operands = 7 : i64, tpu.core_type = #tpu.core_type<sc_vector_subcore>, window_params = [{transform_indices = #map}, {transform_indices = #map}, {transform_indices = #map1}]} {
    %iota3A = tpu.iota {dimensions = array<i32: 0>} : vector<16xi32>
    "tpu.region"() ({
      %run_scoped3A = tpu.sem_alloc : memref<!tpu.dma_semaphore, #tpu.memory_space<semaphore_mem>>
      %dma_start3A_25 = arith.constant 0 : i32
      %dma_start3A_26 = tpu.memref_slice %arg2[%arg1, %dma_start3A_25] : memref<16x4096xf32, #tpu.memory_space<hbm>> -> memref<1x4096xf32, #tpu.memory_space<hbm>>
      %dma_start3A_27 = tpu.memref_squeeze %dma_start3A_26 : memref<1x4096xf32, #tpu.memory_space<hbm>> -> memref<4096xf32, #tpu.memory_space<hbm>>
      %dma_start3A_28 = arith.constant 0 : i32
      %dma_start3A_29 = tpu.memref_slice %arg2[%arg1, %dma_start3A_28] : memref<16x4096xf32, #tpu.memory_space<hbm>> -> memref<1x4096xf32, #tpu.memory_space<hbm>>
      %dma_start3A_30 = tpu.memref_squeeze %dma_start3A_29 : memref<1x4096xf32, #tpu.memory_space<hbm>> -> memref<4096xf32, #tpu.memory_space<hbm>>
      tpu.enqueue_dma source(%dma_start3A_30 : memref<4096xf32, #tpu.memory_space<hbm>>) target(%arg5 : memref<4096xf32, #tpu.memory_space<vmem>>) target_semaphore(%run_scoped3A : memref<!tpu.dma_semaphore, #tpu.memory_space<semaphore_mem>>)
      %dma_wait3A_31 = arith.constant 0 : i32
      %dma_wait3A_32 = tpu.memref_slice %arg2[%arg1, %dma_wait3A_31] : memref<16x4096xf32, #tpu.memory_space<hbm>> -> memref<1x4096xf32, #tpu.memory_space<hbm>>
      %dma_wait3A_33 = tpu.memref_squeeze %dma_wait3A_32 : memref<1x4096xf32, #tpu.memory_space<hbm>> -> memref<4096xf32, #tpu.memory_space<hbm>>
      %dma_wait3A_34 = arith.constant 0 : i32
      %dma_wait3A_35 = tpu.memref_slice %arg2[%arg1, %dma_wait3A_34] : memref<16x4096xf32, #tpu.memory_space<hbm>> -> memref<1x4096xf32, #tpu.memory_space<hbm>>
      %dma_wait3A_36 = tpu.memref_squeeze %dma_wait3A_35 : memref<1x4096xf32, #tpu.memory_space<hbm>> -> memref<4096xf32, #tpu.memory_space<hbm>>
      tpu.wait_dma2 semaphore(%run_scoped3A : memref<!tpu.dma_semaphore, #tpu.memory_space<semaphore_mem>>) src(%dma_wait3A_36 : memref<4096xf32, #tpu.memory_space<hbm>>) dst(%arg5 : memref<4096xf32, #tpu.memory_space<vmem>>)
      tpu.yield
    }) : () -> ()
    %broadcast_in_dim3A = arith.constant 0 : i32
    %broadcast_in_dim3A_0 = vector.broadcast %broadcast_in_dim3A : i32 to vector<16xi32>
    %parallel_loop3A = arith.constant 0 : i32
    %parallel_loop3A_1 = arith.constant 4096 : i32
    %parallel_loop3A_2 = arith.constant 16 : i32
    %parallel_loop3A_3 = scf.for %parallel_loop3A_25 = %parallel_loop3A to %parallel_loop3A_1 step %parallel_loop3A_2 iter_args(%parallel_loop3A_26 = %broadcast_in_dim3A_0) -> (vector<16xi32>)  : i32 {
      %parallel_loop3A_27 = arith.index_cast %parallel_loop3A_25 : i32 to index
      %parallel_loop3A_28 = tpu.vector_load %arg5[%parallel_loop3A_27] {strides = array<i32>} : memref<4096xf32, #tpu.memory_space<vmem>>, vector<16xf32>,
      %parallel_loop3A_29 = arith.constant -1.000000e+00 : f32
      %parallel_loop3A_30 = vector.broadcast %parallel_loop3A_29 : f32 to vector<16xf32>
      %parallel_loop3A_31 = arith.cmpf one, %parallel_loop3A_28, %parallel_loop3A_30 : vector<16xf32>
      %parallel_loop3A_32 = arith.constant 0.000000e+00 : f32
      %parallel_loop3A_33 = vector.broadcast %parallel_loop3A_32 : f32 to vector<16xf32>
      %parallel_loop3A_34 = arith.select %parallel_loop3A_31, %parallel_loop3A_28, %parallel_loop3A_33 : vector<16xi1>, vector<16xf32>
      %parallel_loop3A_35 = arith.index_cast %parallel_loop3A_25 : i32 to index
      %parallel_loop3A_36 = tpu.vector_load %arg6[%parallel_loop3A_35] {strides = array<i32>} : memref<4096xf32, #tpu.memory_space<vmem>>, vector<16xf32>,
      tpu.vector_store %arg6[%parallel_loop3A_35], %parallel_loop3A_34 {strides = array<i32>} : memref<4096xf32, #tpu.memory_space<vmem>>, vector<16xf32>,
      %parallel_loop3A_37 = arith.extui %parallel_loop3A_31 : vector<16xi1> to vector<16xi32>
      %parallel_loop3A_38 = arith.addi %parallel_loop3A_26, %parallel_loop3A_37 : vector<16xi32>
      scf.yield %parallel_loop3A_38 : vector<16xi32>
    } {sc.loop_unroll_factor = 8 : i64, sc.parallel_access}
    %dma_start3A = arith.constant 0 : i32
    %dma_start3A_4 = tpu.memref_slice %arg3[%arg1, %dma_start3A] : memref<16x4096xf32, #tpu.memory_space<hbm>> -> memref<1x4096xf32, #tpu.memory_space<hbm>>
    %dma_start3A_5 = tpu.memref_squeeze %dma_start3A_4 : memref<1x4096xf32, #tpu.memory_space<hbm>> -> memref<4096xf32, #tpu.memory_space<hbm>>
    %dma_start3A_6 = arith.constant 0 : i32
    %dma_start3A_7 = tpu.memref_slice %arg3[%arg1, %dma_start3A_6] : memref<16x4096xf32, #tpu.memory_space<hbm>> -> memref<1x4096xf32, #tpu.memory_space<hbm>>
    %dma_start3A_8 = tpu.memref_squeeze %dma_start3A_7 : memref<1x4096xf32, #tpu.memory_space<hbm>> -> memref<4096xf32, #tpu.memory_space<hbm>>
    tpu.enqueue_dma source(%arg6 : memref<4096xf32, #tpu.memory_space<vmem>>) target(%dma_start3A_8 : memref<4096xf32, #tpu.memory_space<hbm>>) target_semaphore(%arg10 : memref<!tpu.dma_semaphore, #tpu.memory_space<semaphore_mem>>)
    %reduce_sum3A = arith.constant true
    %reduce_sum3A_9 = vector.broadcast %reduce_sum3A : i1 to vector<16xi1>
    %reduce_sum3A_10 = tpu.scan <sum>, %parallel_loop3A_3 masked %reduce_sum3A_9 : vector<16xi32>, vector<16xi1> -> vector<16xi32>
    %reduce_sum3A_11 = vector.extract %reduce_sum3A_10[15] : i32 from vector<16xi32>
    %eq3A = vector.broadcast %arg1 : i32 to vector<16xi32>
    %eq3A_12 = arith.cmpi eq, %iota3A, %eq3A : vector<16xi32>
    %jit3A = arith.constant 0 : i32
    %broadcast_in_dim3A_13 = vector.broadcast %reduce_sum3A_11 : i32 to vector<16xi32>
    %broadcast_in_dim3A_14 = vector.broadcast %jit3A : i32 to vector<16xi32>
    %select_n3A = arith.select %eq3A_12, %broadcast_in_dim3A_13, %broadcast_in_dim3A_14 : vector<16xi1>, vector<16xi32>
    %swap3A = arith.constant 0 : index
    %swap3A_15 = tpu.vector_load %arg7[%swap3A] {strides = array<i32>} : memref<16xi32, #tpu.memory_space<vmem>>, vector<16xi32>,
    tpu.vector_store %arg7[%swap3A], %select_n3A {strides = array<i32>} : memref<16xi32, #tpu.memory_space<vmem>>, vector<16xi32>,
    %mul3A = arith.constant 16 : i32
    %mul3A_16 = arith.muli %arg1, %mul3A : i32
    "tpu.region"() ({
      %run_scoped3A = tpu.sem_alloc : memref<!tpu.dma_semaphore, #tpu.memory_space<semaphore_mem>>
      %dma_start3A_25 = tpu.memref_slice %arg11[%mul3A_16] : memref<256xi32, #tpu.memory_space<vmem_shared>> -> memref<16xi32, #tpu.memory_space<vmem_shared>>
      %dma_start3A_26 = tpu.memref_slice %arg11[%mul3A_16] : memref<256xi32, #tpu.memory_space<vmem_shared>> -> memref<16xi32, #tpu.memory_space<vmem_shared>>
      tpu.enqueue_dma source(%arg7 : memref<16xi32, #tpu.memory_space<vmem>>) target(%dma_start3A_26 : memref<16xi32, #tpu.memory_space<vmem_shared>>) target_semaphore(%run_scoped3A : memref<!tpu.dma_semaphore, #tpu.memory_space<semaphore_mem>>)
      %dma_wait3A_27 = tpu.memref_slice %arg11[%mul3A_16] : memref<256xi32, #tpu.memory_space<vmem_shared>> -> memref<16xi32, #tpu.memory_space<vmem_shared>>
      %dma_wait3A_28 = tpu.memref_slice %arg11[%mul3A_16] : memref<256xi32, #tpu.memory_space<vmem_shared>> -> memref<16xi32, #tpu.memory_space<vmem_shared>>
      tpu.wait_dma2 semaphore(%run_scoped3A : memref<!tpu.dma_semaphore, #tpu.memory_space<semaphore_mem>>) src(%arg7 : memref<16xi32, #tpu.memory_space<vmem>>) dst(%dma_wait3A_28 : memref<16xi32, #tpu.memory_space<vmem_shared>>)
      tpu.yield
    }) : () -> ()
    %barrier3A = arith.constant 0 : index
    tpu.barrier barrier_id(%barrier3A)
    %eq3A_17 = arith.constant 0 : i32
    %eq3A_18 = arith.cmpi eq, %arg1, %eq3A_17 : i32
    %convert_element_type3A = arith.extui %eq3A_18 : i1 to i32
    %cond3A = arith.constant 0 : i32
    %cond3A_19 = arith.cmpi ne, %convert_element_type3A, %cond3A : i32
    scf.if %cond3A_19 {
      "tpu.region"() ({
        %run_scoped3A = tpu.sem_alloc : memref<!tpu.dma_semaphore, #tpu.memory_space<semaphore_mem>>
        tpu.enqueue_dma source(%arg11 : memref<256xi32, #tpu.memory_space<vmem_shared>>) target(%arg8 : memref<256xi32, #tpu.memory_space<vmem>>) target_semaphore(%run_scoped3A : memref<!tpu.dma_semaphore, #tpu.memory_space<semaphore_mem>>)
        tpu.wait_dma2 semaphore(%run_scoped3A : memref<!tpu.dma_semaphore, #tpu.memory_space<semaphore_mem>>) src(%arg11 : memref<256xi32, #tpu.memory_space<vmem_shared>>) dst(%arg8 : memref<256xi32, #tpu.memory_space<vmem>>)
        tpu.yield
      }) : () -> ()
      %mul3A_25 = arith.constant 17 : i32
      %mul3A_26 = vector.broadcast %mul3A_25 : i32 to vector<16xi32>
      %mul3A_27 = arith.muli %iota3A, %mul3A_26 : vector<16xi32>
      %gather3A = tpu.vector_load_idx %arg8[%mul3A_27] : memref<256xi32, #tpu.memory_space<vmem>>[vector<16xi32>], vector<16xi32>,
      %broadcast_in_dim3A_28 = arith.constant true
      %broadcast_in_dim3A_29 = vector.broadcast %broadcast_in_dim3A_28 : i1 to vector<16xi1>
      %masked_cumsum3A = tpu.scan <sum>, %gather3A masked %broadcast_in_dim3A_29 : vector<16xi32>, vector<16xi1> -> vector<16xi32>
      %sub3A = arith.subi %masked_cumsum3A, %gather3A : vector<16xi32>
      %swap3A_30 = arith.constant 0 : index
      %swap3A_31 = tpu.vector_load %arg9[%swap3A_30] {strides = array<i32>} : memref<32xi32, #tpu.memory_space<vmem>>, vector<16xi32>,
      tpu.vector_store %arg9[%swap3A_30], %sub3A {strides = array<i32>} : memref<32xi32, #tpu.memory_space<vmem>>, vector<16xi32>,
      %reduce_sum3A_32 = arith.constant true
      %reduce_sum3A_33 = vector.broadcast %reduce_sum3A_32 : i1 to vector<16xi1>
      %reduce_sum3A_34 = tpu.scan <sum>, %gather3A masked %reduce_sum3A_33 : vector<16xi32>, vector<16xi1> -> vector<16xi32>
      %reduce_sum3A_35 = vector.extract %reduce_sum3A_34[15] : i32 from vector<16xi32>
      %broadcast_in_dim3A_36 = vector.broadcast %reduce_sum3A_35 : i32 to vector<16xi32>
      %swap3A_37 = arith.constant 16 : index
      %swap3A_38 = tpu.vector_load %arg9[%swap3A_37] {strides = array<i32>} : memref<32xi32, #tpu.memory_space<vmem>>, vector<16xi32>,
      tpu.vector_store %arg9[%swap3A_37], %broadcast_in_dim3A_36 {strides = array<i32>} : memref<32xi32, #tpu.memory_space<vmem>>, vector<16xi32>,
      "tpu.region"() ({
        %run_scoped3A = tpu.sem_alloc : memref<!tpu.dma_semaphore, #tpu.memory_space<semaphore_mem>>
        %dma_start3A_39 = arith.constant 0 : i32
        %dma_start3A_40 = tpu.memref_slice %arg9[%dma_start3A_39] : memref<32xi32, #tpu.memory_space<vmem>> -> memref<17xi32, #tpu.memory_space<vmem>>
        %dma_start3A_41 = arith.constant 0 : i32
        %dma_start3A_42 = tpu.memref_slice %arg9[%dma_start3A_41] : memref<32xi32, #tpu.memory_space<vmem>> -> memref<17xi32, #tpu.memory_space<vmem>>
        tpu.enqueue_dma source(%dma_start3A_42 : memref<17xi32, #tpu.memory_space<vmem>>) target(%arg4 : memref<17xi32, #tpu.memory_space<hbm>>) target_semaphore(%run_scoped3A : memref<!tpu.dma_semaphore, #tpu.memory_space<semaphore_mem>>)
        %dma_wait3A_43 = arith.constant 0 : i32
        %dma_wait3A_44 = tpu.memref_slice %arg9[%dma_wait3A_43] : memref<32xi32, #tpu.memory_space<vmem>> -> memref<17xi32, #tpu.memory_space<vmem>>
        %dma_wait3A_45 = arith.constant 0 : i32
        %dma_wait3A_46 = tpu.memref_slice %arg9[%dma_wait3A_45] : memref<32xi32, #tpu.memory_space<vmem>> -> memref<17xi32, #tpu.memory_space<vmem>>
        tpu.wait_dma2 semaphore(%run_scoped3A : memref<!tpu.dma_semaphore, #tpu.memory_space<semaphore_mem>>) src(%dma_wait3A_46 : memref<17xi32, #tpu.memory_space<vmem>>) dst(%arg4 : memref<17xi32, #tpu.memory_space<hbm>>)
        tpu.yield
      }) : () -> ()
    } else {
    }
    %dma_wait3A = arith.constant 0 : i32
    %dma_wait3A_20 = tpu.memref_slice %arg3[%arg1, %dma_wait3A] : memref<16x4096xf32, #tpu.memory_space<hbm>> -> memref<1x4096xf32, #tpu.memory_space<hbm>>
    %dma_wait3A_21 = tpu.memref_squeeze %dma_wait3A_20 : memref<1x4096xf32, #tpu.memory_space<hbm>> -> memref<4096xf32, #tpu.memory_space<hbm>>
    %dma_wait3A_22 = arith.constant 0 : i32
    %dma_wait3A_23 = tpu.memref_slice %arg3[%arg1, %dma_wait3A_22] : memref<16x4096xf32, #tpu.memory_space<hbm>> -> memref<1x4096xf32, #tpu.memory_space<hbm>>
    %dma_wait3A_24 = tpu.memref_squeeze %dma_wait3A_23 : memref<1x4096xf32, #tpu.memory_space<hbm>> -> memref<4096xf32, #tpu.memory_space<hbm>>
    tpu.wait_dma2 semaphore(%arg10 : memref<!tpu.dma_semaphore, #tpu.memory_space<semaphore_mem>>) src(%arg6 : memref<4096xf32, #tpu.memory_space<vmem>>) dst(%dma_wait3A_24 : memref<4096xf32, #tpu.memory_space<hbm>>)
    return
  }
}

</mosaic_0001>

<sc_bundles>
// kernel: kernel.3.cloned.1.call-start
scs
__scs_entry_jumppad:
0x0: {  	(pc) =	sbr.rel $0x88, $3  }
0x1: {  	(tag) =	ssettag $0x0;
	lr =	simm.s32 $0x1  }
0x2: {  	[smem:$0x3FA0] =	sst lr;
	_ =	strace $0xD0000000  }
0x3: {  	_ = 	snop  }
0x4: {  	_ = 	snop  }
0x5: {  	_ = 	snop  }
0x6: {  	_ = 	snop  }
0x7: {  	_ = 	snop  }
__scs_overlays_trampoline_lowered:
0x8: {  	[smem:$0x3FAF] =	sst s0  }
0x9: {  	[smem:$0x3FB0] =	sst s1  }
0xa: {  	[smem:$0x3FB1] =	sst s2  }
0xb: {  	[smem:$0x3FB2] =	sst s3  }
0xc: {  	[smem:$0x3FB3] =	sst s4  }
0xd: {  	[smem:$0x3FB4] =	sst s5  }
0xe: {  	[smem:$0x3FB5] =	sst s6  }
0xf: {  	[smem:$0x3FB6] =	sst s7  }
0x10: {  	[smem:$0x3FB7] =	sst s8  }
0x11: {  	[smem:$0x3FB8] =	sst s9;
	s0 =	simm.s32 @!p0 $0x0  }
0x12: {  	s1 =	sld [smem:$0x3F9E];
	s0 =	simm.s32 @p0 $0x1  }
0x13: {  	[smem:$0x3FB9] =	sst s0;
	s0 =	simm.s32 @!p1 $0x0  }
0x14: {  	s2 =	sld [smem:$0x3F9D];
	s0 =	simm.s32 @p1 $0x1  }
0x15: {  	[smem:$0x3FBA] =	sst s0;
	s0 =	simm.s32 @!p2 $0x0  }
0x16: {  	s3 =	sld [smem:$0x3FDB];
	s0 =	simm.s32 @p2 $0x1  }
0x17: {  	s4 =	simm.s32 $0x1BF5;
	[smem:$0x3FBC] =	sst s0  }
0x18: {  	s0 =	sld [smem:$0x3F9F];
	_ =	swait.ge [sflag:s4], $0x0  }
0x19: {  	s7 =	sld [smem:$0x3FA0]  }
0x1a: {  	s8 =	sadd.s32 $0xFFFFE003, lr  }
0x1b: {  	s9 =	sadd.s32 $0xFFFFFEF7, lr;
	s5 =	simm.s32 $0xFFFFFFFF;
	p2 =	slt.u32 s8, $0xFFFFF086  }
0x1c: {  	p1 =	slt.u32 s9, $0xF7A;
	s5 =	simm.s32 @!p2 $0x0  }
0x1d: {  	s5 =	simm.s32 @p1 $0x1;
	p0 =	seq.s32 s7, s2  }
0x1e: {  	s7 =	smul.u32 @!p0 $0xF7A, s2;
	p2 =	seq.s32 @!p0 s5, $0x0  }
0x1f: {  	s9 =	smul.u32 $0xF7A, s1;
	s8 =	simm.s32 @!p0 $0x1BF5;
	p2 =	por !p2, p0  }
0x20: {  	[sflag:s8] =	ssyncset.s32 @!p0 $0xFFFFF086;
	s6 =	sadd.s32 @!p0 s3, s7;
	s7 =	simm.s32 @!p0 $0x108  }
0x21: {  	s3 =	sadd.s32 s3, s9;
	s6 =	sadd.s32 @!p0 $0x88, s6;
	s7 =	simm.s32 @p2 $0x1082  }
0x22: {  	[simem:s7], [sflag:s8] =	dma.local @!p0 [hbm:s6], $0xF7A  }
0x23: {  	s9 =	sor.u32 $0xD0000000, s2;
	s6 =	simm.s32 $0x108;
	_ =	swait.ge @!p0 [sflag:s8], $0x0  }
0x24: {  	s3 =	sadd.s32 $0x88, s3;
	s6 =	simm.s32 @!p1 $0x1082;
	[sflag:s4] =	ssyncset.s32 $0xFFFFF086  }
0x25: {  	[simem:s6], [sflag:s4] =	dma.local [hbm:s3], $0xF7A  }
0x26: {  	[smem:$0x3FA0] =	sst s1;
	(tag) =	ssettag s2;
	_ =	strace s9  }
0x27: {  	s1 =	sld [smem:$0x3FB0]  }
0x28: {  	s2 =	sld [smem:$0x3FB1]  }
0x29: {  	s4 =	sld [smem:$0x3FB3]  }
0x2a: {  	p0 =	seq.s32 s5, $0x0;
	s5 =	sld [smem:$0x3FB4]  }
0x2b: {  	s6 =	sld [smem:$0x3FB5]  }
0x2c: {  	s7 =	sld [smem:$0x3FB6]  }
0x2d: {  	s3 =	simm.s32 $0x108;
	s8 =	sld [smem:$0x3FB7]  }
0x2e: {  	s3 =	simm.s32 @!p0 $0x1082;
	s9 =	sld [smem:$0x3FB8]  }
0x2f: {  	lr =	sadd.s32 s0, s3;
	s0 =	sld [smem:$0x3FAF]  }
0x30: {  	s3 =	sld [smem:$0x3FB2]  }
0x31: {  	[smem:$0x3FBB] =	sst s10  }
0x32: {  	s10 =	sld [smem:$0x3FB9];
	_ =	sdelay $0x3  }
0x33: {  	p0 =	seq.s32 s10, $0x1;
	s10 =	sld [smem:$0x3FBB];
	_ =	sdelay $0x3  }
0x34: {  	[smem:$0x3FBB] =	sst s10  }
0x35: {  	s10 =	sld [smem:$0x3FBA];
	_ =	sdelay $0x3  }
0x36: {  	p1 =	seq.s32 s10, $0x1;
	s10 =	sld [smem:$0x3FBB];
	_ =	sdelay $0x3  }
0x37: {  	[smem:$0x3FBB] =	sst s10  }
0x38: {  	s10 =	sld [smem:$0x3FBC]  }
0x39: {  	_ = 	snop;
	(pc) =	sbr.ind lr, $3  }
0x3a: {  	_ = 	snop  }
0x3b: {  	_ = 	snop  }
0x3c: {  	p2 =	seq.s32 s10, $0x1;
	s10 =	sld [smem:$0x3FBB]  }
0x3d: {  	_ =	shalt  }
0x3e: {  	_ =	shalt  }
0x3f: {  	_ =	shalt  }
0x40: {  	_ =	shalt  }
0x41: {  	_ =	shalt  }
0x42: {  	_ =	shalt  }
0x43: {  	_ =	shalt  }
0x44: {  	_ =	shalt  }
0x45: {  	_ =	shalt  }
0x46: {  	_ =	shalt  }
0x47: {  	_ =	shalt  }
0x48: {  	_ =	shalt  }
0x49: {  	_ =	shalt  }
0x4a: {  	_ =	shalt  }
0x4b: {  	_ =	shalt  }
0x4c: {  	_ =	shalt  }
0x4d: {  	_ =	shalt  }
0x4e: {  	_ =	shalt  }
0x4f: {  	_ =	shalt  }
0x50: {  	_ =	shalt  }
0x51: {  	_ =	shalt  }
0x52: {  	_ =	shalt  }
0x53: {  	_ =	shalt  }
0x54: {  	_ =	shalt  }
0x55: {  	_ =	shalt  }
0x56: {  	_ =	shalt  }
0x57: {  	_ =	shalt  }
0x58: {  	_ =	shalt  }
0x59: {  	_ =	shalt  }
0x5a: {  	_ =	shalt  }
0x5b: {  	_ =	shalt  }
0x5c: {  	_ =	shalt  }
0x5d: {  	_ =	shalt  }
0x5e: {  	_ =	shalt  }
0x5f: {  	_ =	shalt  }
0x60: {  	_ =	shalt  }
0x61: {  	_ =	shalt  }
0x62: {  	_ =	shalt  }
0x63: {  	_ =	shalt  }
0x64: {  	_ =	shalt  }
0x65: {  	_ =	shalt  }
0x66: {  	_ =	shalt  }
0x67: {  	_ =	shalt  }
0x68: {  	_ =	shalt  }
0x69: {  	_ =	shalt  }
0x6a: {  	_ =	shalt  }
0x6b: {  	_ =	shalt  }
0x6c: {  	_ =	shalt  }
0x6d: {  	_ =	shalt  }
0x6e: {  	_ =	shalt  }
0x6f: {  	_ =	shalt  }
0x70: {  	_ =	shalt  }
0x71: {  	_ =	shalt  }
0x72: {  	_ =	shalt  }
0x73: {  	_ =	shalt  }
0x74: {  	_ =	shalt  }
0x75: {  	_ =	shalt  }
0x76: {  	_ =	shalt  }
0x77: {  	_ =	shalt  }
0x78: {  	_ =	shalt  }
0x79: {  	_ =	shalt  }
0x7a: {  	_ =	shalt  }
0x7b: {  	_ =	shalt  }
0x7c: {  	_ =	shalt  }
0x7d: {  	_ =	shalt  }
0x7e: {  	_ =	shalt  }
0x7f: {  	_ =	shalt  }
0x80: {  	_ =	shalt  }
0x81: {  	_ =	shalt  }
0x82: {  	_ =	shalt  }
0x83: {  	_ =	shalt  }
0x84: {  	_ =	shalt  }
0x85: {  	_ =	shalt  }
0x86: {  	_ =	shalt  }
0x87: {  	_ =	shalt  }
.Lfunc_end0:
.L_simem_size_0:
called_computation_lowered:
.L_overlay_start_0:
0x88: {  	s0 =	sld [smem:$0x3FD9]  }
0x89: {  	s1 =	sld [smem:$0x3FFE];
	_ =	sdelay $0x3  }
0x8a: {  	s0 =	sadd.s32 s1, s0  }
0x8b: {  	[smem:$0x3FC7] =	sst s0  }
0x8c: {  	_ = 	snop  }
0x8d: {  	s0 =	sld [smem:$0x3FD0];
	_ =	sdelay $0x2  }
0x8e: {  	s2 =	simm.s32 $0xA;
	s3 =	simm.s32 $0x10;
	s14 =	sld [smem:$0x3FC9]  }
0x8f: {  	[smem:s3], [sflag:s2] =	dma.local [hbm:s0], $0x1  }
0x90: {  	_ =	swait.eq [sflag:s2], $0x1  }
0x91: {  	[sflag:s2] =	ssyncset.done $0x0  }
0x92: {  	s15 =	sld [smem:$0x10];
	[sflag:s2] =	ssyncadd.s32 $0xFFFFFFFF  }
0x93: {  	s16 =	sld [smem:$0x11];
	(tm) =	ssettm $0x1  }
0x94: {  	s17 =	sld [smem:$0x3FFB];
	_ =	sdelay $0x3  }
0x95: {  	_ =	strace s17  }
0x96: {  	s3 =	sld [smem:$0x3FFC];
	_ =	sdelay $0x3  }
0x97: {  	_ =	strace s3  }
0x98: {  	s3 =	sld [smem:$0x3FFD];
	_ =	sdelay $0x3  }
0x99: {  	_ =	strace s3  }
0x9a: {  	_ =	strace $0x8FFFFFFF  }
0x9b: {  	s18 =	sld [smem:$0x3FDB];
	_ =	sdelay $0x1  }
0x9c: {  	s4 =	simm.s32 $_scs_section_size  }
0x9d: {  	s5 =	simm.s32 $_size__tile_overlayer_lowered;
	s6 =	simm.s32 $_tile_overlayer_lowered  }
0x9e: {  	s21 =	simm.s32 $0x1BFF;
	s20 =	sshll.u32 s6, $0x1;
	s3 =	sadd.s32 s4, s18  }
0x9f: {  	s7 =	simm.s32 $0x0;
	s19 =	sshll.u32 s5, $0x1;
	s5 =	sadd.s32 s20, s3  }
0xa0: {  	[timem:s7], [sflag:s21] =	dma.local [hbm:s5], s19  }
0xa1: {  	_ =	swait.ge [sflag:s21], s19  }
0xa2: {  	s4 =	ssub.s32 $0x0, s19;
	[sflag:s21] =	ssyncset.done $0x0  }
0xa3: {  	[sflag:s21] =	ssyncadd.s32 s4;
	_ =	sdelay $0x1  }
0xa4: {  	s22 =	simm.s32 $0x1B8B  }
0xa5: {  	_ =	swait.ge [sflag:s22], $0x1  }
0xa6: {  	[sflag:s22] =	ssyncset.done $0x0  }
0xa7: {  	s23 =	simm.s32 $0x1B8E;
	[sflag:s22] =	ssyncadd.s32 $0xFFFFFFFF  }
0xa8: {  	s24 =	simm.s32 $execute0_lowered;
	[smem:$0x3FD2] =	sst s23  }
0xa9: {  	s4 =	sshll.u32 s24, $0x1;
	_ =	strace $0x80000046;
	[dreg:$0x1] =	wrdreg $0xFFFFFFFF  }
0xaa: {  	s25 =	simm.s32 $_size_execute0_lowered;
	s3 =	sadd.s32 s3, s4;
	[dreg:$0x0] =	wrdreg $0x0  }
0xab: {  	s4 =	sshll.u32 s25, $0x1;
	[dreg:$0x2] =	wrdreg s3  }
0xac: {  	[dreg:$0x3] =	wrdreg s4  }
0xad: {  	[dreg:$0x4] =	wrdreg $0xC0  }
0xae: {  	_ =	task [dreg:s7], $0x5FFFF  }
0xaf: {  	[dreg:$0x1] =	wrdreg $0xFFFFFFFF  }
0xb0: {  	[dreg:$0x0] =	wrdreg $0x60  }
0xb1: {  	[dreg:$0x2] =	wrdreg s14  }
0xb2: {  	[dreg:$0x3] =	wrdreg s15  }
0xb3: {  	[dreg:$0x4] =	wrdreg s16  }
0xb4: {  	[dreg:$0x5] =	wrdreg $0x22000  }
0xb5: {  	[dreg:$0x6] =	wrdreg $0x9  }
0xb6: {  	_ =	task.clear_ibuf [dreg:s7], $0x7FFFF;
	_ =	strace $0x90000046  }
0xb7: {  	s26 =	simm.s32 $0x9;
	_ =	strace $0x80000048  }
0xb8: {  	_ =	swait.ge [sflag:s26], $0x1  }
0xb9: {  	[sflag:s26] =	ssyncadd.s32 $0xFFFFFFFF  }
0xba: {  	_ =	strace $0x90000048  }
0xbb: {  	_ =	sfence  }
0xbc: {  	s28 =	sld [smem:$0x0];
	_ =	sdelay $0x1  }
0xbd: {  	s29 =	srdreg.scid  }
0xbe: {  	s30 =	sshll.u32 s29, $0xD;
	s31 =	sshrl.u32 s29, $0x2  }
0xbf: {  	s1 =	sand.u32 $0x1, s29;
	s2 =	sand.u32 $0x4000, s30;
	s0 =	sadd.s32 s31, s28  }
0xc0: {  	s1 =	sor.u32 s2, s1;
	s0 =	sshll.u32 s0, $0x11  }
0xc1: {  	s0 =	sor.u32 s0, s1  }
0xc2: {  	s0 =	sadd.s32 $0x8F2B, s0  }
0xc3: {  	[sflag:s0] =	ssyncadd.remote.s32 $0x1  }
0xc4: {  	_ =	sfence.sel $0xFFFF  }
0xc5: {  	[dreg:$0x0] =	wrdreg $0xFFFFFFFF;
	(pc) =	sbr.abs _section_cstart, $3  }
0xc6: {  	[dreg:$0x1] =	wrdreg $0xFFFFFFFF  }
0xc7: {  	_ =	task.clear_ibuf [dreg:s7], $0x2FFFF;
	_ =	strace $0x9FFFFFFF  }
0xc8: {  	(tm) =	ssettm $0x7FFFFFFF  }
0xc9: {  	_ =	shalt  }
tec
execute0_lowered:
.L_overlay_start_1:
0x0: {  	(tag) =	ssettag $0x1  }
0x1: {  	s7 =	rddreg [dreg:$0x0]  }
0x2: {  	s5 =	rddreg [dreg:$0x1]  }
0x3: {  	s1 =	rddreg [dreg:$0x2]  }
0x4: {  	s2 =	rddreg [dreg:$0x3];
	s3 =	stileid.u32  }
0x5: {  	s0 =	rddreg [dreg:$0x4];
	s6 =	sshll.u32 s3, $0x9;
	s4 =	sshll.u32 s3, $0x4  }
0x6: {  	s8 =	simm.s32 $0x0;
	s9 =	simm.s32 $0x80;
	s6 =	sor.u32 s4, s6  }
0x7: {  	s10 =	simm.s32 $0x400;
	[smem:$0x7FF] =	sst s8;
	s6 =	sand.u32 $0x1070, s6  }
0x8: {  	s29 =	simm.s32 $0x2;
	_ =	strace $0x80000047;
	s7 =	sadd.s32 s7, s6  }
0x9: {  	[tilespmem:s8], [sflag:$0x2] =	stream.strided.gather [hbm4b:s7+s9], $0x1000, s10, s9, $0x38;
	[tilespmem:$0x2210] =	vst v63  }
0xa: {  	_ =	swait.ge [sflag:s29], $0x1000  }
0xb: {  	[sflag:s29] =	ssyncset.done $0x0  }
0xc: {  	s30 =	simm.s32 $0x40;
	[sflag:s29] =	ssyncadd.s32 $0xFFFFF000  }
0xd: {  	v5 =	vld [tilespmem:s30+$0x30]  }
0xe: {  	v9 =	vld [tilespmem:s30+$0x20]  }
0xf: {  	v8 =	vld [tilespmem:s30+$0x10]  }
0x10: {  	v10 =	vld [tilespmem:s30+$0x0]  }
0x11: {  	v11 =	vld [tilespmem:s30+$0xFFFFFFF0]  }
0x12: {  	v7 =	vld [tilespmem:s30+$0xFFFFFFE0]  }
0x13: {  	v12 =	vld [tilespmem:s30+$0xFFFFFFC0]  }
0x14: {  	v0 =	vimm.s32 $0x0;
	v13 =	vld [tilespmem:s30+$0xFFFFFFD0];
	vm0 =	vlt.f32 v5, $-1.000000000e+00  }
0x15: {  	vm2 =	vlt.f32 v9, $-1.000000000e+00;
	vm3 =	vgt.f32 v9, $-1.000000000e+00;
	vm1 =	vgt.f32 v5, $-1.000000000e+00  }
0x16: {  	vm4 =	vlt.f32 v10, $-1.000000000e+00;
	vm5 =	vlt.f32 v8, $-1.000000000e+00;
	vm6 =	vgt.f32 v8, $-1.000000000e+00  }
0x17: {  	vm7 =	vlt.f32 v11, $-1.000000000e+00;
	vm8 =	vgt.f32 v11, $-1.000000000e+00;
	vm9 =	vgt.f32 v10, $-1.000000000e+00  }
0x18: {  	vm10 =	vlt.f32 v12, $-1.000000000e+00;
	vm11 =	vgt.f32 v12, $-1.000000000e+00;
	vm12 =	vlt.f32 v7, $-1.000000000e+00  }
0x19: {  	vm13 =	vgt.f32 v13, $-1.000000000e+00;
	vm10 =	vmor vm11, vm10;
	vm11 =	vlt.f32 v13, $-1.000000000e+00  }
0x1a: {  	vm7 =	vmor vm8, vm7;
	vm4 =	vmor vm9, vm4;
	vm5 =	vmor vm6, vm5  }
0x1b: {  	vm2 =	vmor vm3, vm2;
	vm1 =	vmor vm1, vm0;
	v1 =	vsel vm10, $0x1, v0  }
0x1c: {  	s31 =	simm.s32 $0xC0;
	vm11 =	vmor vm13, vm11;
	vm13 =	vgt.f32 v7, $-1.000000000e+00;
	v4 =	vsel vm7, $0x1, v0  }
0x1d: {  	v6 =	vsel vm4, $0x1, v0;
	v63 =	vnsel vm5, $0x0, v8;
	v8 =	vld [tilespmem:s31+$0xFFFFFFD0];
	v17 =	vnsel vm1, $0x0, v5  }
0x1e: {  	v5 =	vld [tilespmem:s31+$0xFFFFFFE0];
	v1 =	vadd.s32 v1, v0;
	v2 =	vsel vm11, $0x1, v0;
	vm12 =	vmor vm13, vm12  }
0x1f: {  	v14 =	vsel vm5, $0x1, v0;
	v2 =	vadd.s32 v2, v1;
	v3 =	vsel vm12, $0x1, v0;
	v1 =	vld [tilespmem:s31+$0x30]  }
0x20: {  	v15 =	vsel vm2, $0x1, v0;
	v16 =	vnsel vm12, $0x0, v7;
	v7 =	vld [tilespmem:s31+$0xFFFFFFC0];
	v3 =	vadd.s32 v3, v2  }
0x21: {  	v12 =	vnsel vm10, $0x0, v12;
	v62 =	vsel vm1, $0x1, v0;
	v2 =	vld [tilespmem:s31+$0x20];
	v4 =	vadd.s32 v4, v3  }
0x22: {  	v11 =	vnsel vm7, $0x0, v11;
	v10 =	vnsel vm4, $0x0, v10;
	v6 =	vadd.s32 v6, v4  }
0x23: {  	v9 =	vnsel vm2, $0x0, v9;
	v13 =	vnsel vm11, $0x0, v13;
	v3 =	vld [tilespmem:s31+$0x10];
	v14 =	vadd.s32 v14, v6  }
0x24: {  	s7 =	simm.s32 $0x1040;
	v4 =	vld [tilespmem:s31+$0x0];
	vm9 =	vgt.f32 v8, $-1.000000000e+00;
	vm13 =	vgt.f32 v5, $-1.000000000e+00;
	v14 =	vadd.s32 v15, v14  }
0x25: {  	[tilespmem:s7+$0xFFFFFFC0] =	vst v12;
	vm0 =	vlt.f32 v1, $-1.000000000e+00;
	vm1 =	vgt.f32 v1, $-1.000000000e+00;
	vm4 =	vlt.f32 v7, $-1.000000000e+00  }
0x26: {  	[tilespmem:s7+$0xFFFFFFF0] =	vst v11;
	v6 =	vld [tilespmem:s31+$0xFFFFFFF0];
	vm6 =	vgt.f32 v7, $-1.000000000e+00;
	v14 =	vadd.s32 v62, v14;
	vm2 =	vlt.f32 v2, $-1.000000000e+00  }
0x27: {  	[tilespmem:s7+$0x0] =	vst v10;
	vm3 =	vgt.f32 v2, $-1.000000000e+00;
	vm4 =	vmor vm6, vm4;
	vm6 =	vlt.f32 v8, $-1.000000000e+00  }
0x28: {  	[tilespmem:s7+$0x10] =	vst v63;
	vm5 =	vlt.f32 v3, $-1.000000000e+00;
	vm7 =	vgt.f32 v3, $-1.000000000e+00;
	vm6 =	vmor vm9, vm6  }
0x29: {  	[tilespmem:s7+$0x20] =	vst v9;
	v10 =	vsel vm4, $0x1, v0;
	vm9 =	vlt.f32 v5, $-1.000000000e+00;
	vm8 =	vlt.f32 v4, $-1.000000000e+00  }
0x2a: {  	[tilespmem:s7+$0x30] =	vst v17;
	v10 =	vadd.s32 v10, v14;
	vm11 =	vgt.f32 v4, $-1.000000000e+00;
	vm9 =	vmor vm13, vm9  }
0x2b: {  	[tilespmem:s7+$0xFFFFFFD0] =	vst v13;
	v9 =	vsel vm6, $0x1, v0;
	vm10 =	vlt.f32 v6, $-1.000000000e+00;
	vm12 =	vgt.f32 v6, $-1.000000000e+00  }
0x2c: {  	s8 =	simm.s32 $0x80;
	s9 =	simm.s32 $0x140;
	[tilespmem:s7+$0xFFFFFFE0] =	vst v16;
	v9 =	vadd.s32 v9, v10;
	v10 =	vsel vm9, $0x1, v0;
	vm10 =	vmor vm12, vm10  }
.LBB2_1:
0x2d: {  	v11 =	vld [tilespmem:s9+$0x30];
	v9 =	vadd.s32 v10, v9;
	v10 =	vsel vm10, $0x1, v0;
	vm8 =	vmor vm11, vm8  }
0x2e: {  	vm5 =	vmor vm7, vm5;
	v12 =	vld [tilespmem:s9+$0x20];
	v9 =	vadd.s32 v10, v9;
	v10 =	vsel vm8, $0x1, v0  }
0x2f: {  	vm2 =	vmor vm3, vm2;
	v13 =	vld [tilespmem:s9+$0x10];
	v9 =	vadd.s32 v10, v9;
	v10 =	vsel vm5, $0x1, v0  }
0x30: {  	vm1 =	vmor vm1, vm0;
	v14 =	vld [tilespmem:s9+$0x0];
	v9 =	vadd.s32 v10, v9;
	v10 =	vsel vm2, $0x1, v0  }
0x31: {  	v7 =	vnsel vm4, $0x0, v7;
	s7 =	sadd.s32 $0x80, s7;
	v15 =	vld [tilespmem:s9+$0xFFFFFFF0];
	v9 =	vadd.s32 v10, v9;
	v10 =	vsel vm1, $0x1, v0  }
0x32: {  	v8 =	vnsel vm6, $0x0, v8;
	v16 =	vnsel vm9, $0x0, v5;
	[tilespmem:s7+$0xFFFFFFC0] =	vst v7;
	v5 =	vld [tilespmem:s9+$0xFFFFFFE0];
	v9 =	vadd.s32 v10, v9  }
0x33: {  	s8 =	sadd.s32 $0x80, s8;
	v6 =	vnsel vm10, $0x0, v6;
	v17 =	vnsel vm5, $0x0, v3;
	v10 =	vnsel vm8, $0x0, v4;
	v7 =	vld [tilespmem:s9+$0xFFFFFFC0];
	[tilespmem:s7+$0xFFFFFFD0] =	vst v8  }
0x34: {  	p0 =	slt.u32 s8, $0xF80;
	v18 =	vnsel vm1, $0x0, v1;
	vm0 =	vlt.f32 v11, $-1.000000000e+00;
	v1 =	vmovc v11;
	v8 =	vld [tilespmem:s9+$0xFFFFFFD0];
	[tilespmem:s7+$0xFFFFFFE0] =	vst v16;
	v16 =	vnsel vm2, $0x0, v2;
	v2 =	vmovc v12  }
0x35: {  	vm1 =	vgt.f32 v1, $-1.000000000e+00;
	v3 =	vmovc v13;
	vm2 =	vlt.f32 v2, $-1.000000000e+00;
	vm3 =	vgt.f32 v2, $-1.000000000e+00;
	[tilespmem:s7+$0xFFFFFFF0] =	vst v6;
	v4 =	vmovc v14  }
0x36: {  	vm5 =	vlt.f32 v3, $-1.000000000e+00;
	vm7 =	vgt.f32 v3, $-1.000000000e+00;
	vm8 =	vlt.f32 v4, $-1.000000000e+00;
	[tilespmem:s7+$0x0] =	vst v10;
	v6 =	vmovc v15  }
0x37: {  	vm11 =	vgt.f32 v4, $-1.000000000e+00;
	vm10 =	vlt.f32 v6, $-1.000000000e+00;
	vm12 =	vgt.f32 v6, $-1.000000000e+00;
	[tilespmem:s7+$0x10] =	vst v17  }
.Ltmp0:
0x38: {  	vm9 =	vlt.f32 v5, $-1.000000000e+00;
	vm4 =	vlt.f32 v7, $-1.000000000e+00;
	vm6 =	vgt.f32 v7, $-1.000000000e+00;
	[tilespmem:s7+$0x20] =	vst v16;
	(pc) =	sbr.rel @p0 .LBB2_1-.Ltmp0, $4  }
0x39: {  	vm4 =	vmor vm6, vm4;
	vm6 =	vlt.f32 v8, $-1.000000000e+00;
	vm13 =	vgt.f32 v8, $-1.000000000e+00;
	[tilespmem:s7+$0x30] =	vst v18  }
0x3a: {  	v10 =	vsel vm4, $0x1, v0;
	vm6 =	vmor vm13, vm6;
	vm13 =	vgt.f32 v5, $-1.000000000e+00  }
0x3b: {  	v9 =	vadd.s32 v10, v9;
	v10 =	vsel vm6, $0x1, v0;
	vm9 =	vmor vm13, vm9  }
0x3c: {  	s9 =	sadd.s32 $0x80, s9;
	vm10 =	vmor vm12, vm10;
	v9 =	vadd.s32 v10, v9;
	v10 =	vsel vm9, $0x1, v0  }
0x3d: {  	v9 =	vadd.s32 v10, v9;
	v53 =	vsel vm10, $0x1, v0;
	vm8 =	vmor vm11, vm8  }
0x3e: {  	vm5 =	vmor vm7, vm5;
	v9 =	vadd.s32 v53, v9;
	v54 =	vsel vm8, $0x1, v0  }
0x3f: {  	vm2 =	vmor vm3, vm2;
	v55 =	vsel vm5, $0x1, v0;
	v9 =	vadd.s32 v54, v9  }
0x40: {  	vm0 =	vmor vm1, vm0;
	v56 =	vsel vm2, $0x1, v0;
	v9 =	vadd.s32 v55, v9  }
0x41: {  	v57 =	vsel vm0, $0x1, v0;
	v9 =	vadd.s32 v56, v9  }
0x42: {  	v0 =	vadd.s32 v57, v9  }
0x43: {  	v7 =	vnsel vm4, $0x0, v7;
	s7 =	sadd.s32 $0x80, s7;
	(xrf0) =	vadd.scan.msk.s32 $0xffff, v0  }
0x44: {  	v58 =	vnsel vm6, $0x0, v8;
	[tilespmem:s7+$0xFFFFFFC0] =	vst v7  }
0x45: {  	v5 =	vnsel vm9, $0x0, v5;
	[tilespmem:s7+$0xFFFFFFD0] =	vst v58  }
0x46: {  	v59 =	vnsel vm10, $0x0, v6;
	[tilespmem:s7+$0xFFFFFFE0] =	vst v5  }
0x47: {  	v4 =	vnsel vm8, $0x0, v4;
	[tilespmem:s7+$0xFFFFFFF0] =	vst v59  }
0x48: {  	v60 =	vnsel vm5, $0x0, v3;
	[tilespmem:s7+$0x0] =	vst v4  }
0x49: {  	v62 =	vmov s3;
	v2 =	vnsel vm2, $0x0, v2;
	[tilespmem:s7+$0x10] =	vst v60;
	v61, _, _ =	vpop (xrf0)  }
0x4a: {  	s5 =	sadd.s32 s5, s6;
	v63 =	vlaneseq.u32;
	v1 =	vnsel vm0, $0x0, v1;
	[tilespmem:s7+$0x20] =	vst v2;
	v0 =	vbroadcast v61, $0xF  }
0x4b: {  	s28 =	simm.s32 $0x80;
	s29 =	simm.s32 $0x400;
	s8 =	simm.s32 $0x1000;
	vm15 =	veq.s32 v62, v63;
	[tilespmem:s7+$0x30] =	vst v1  }
0x4c: {  	[hbm4b:s5+s28] =	stream.strided.scatter [tilespmem:s8], [sflag:$0x1], $0x1000, s29, s28, $0x38;
	v0 =	vnsel vm15, $0x0, v0;
	[tilespmem:$0x2210] =	vst v63  }
0x4d: {  	s4 =	sadd.s32 s4, s2;
	s30 =	simm.s32 $0x2000;
	s31 =	simm.s32 $0x2;
	[tilespmem:$0x2000] =	vst v0  }
0x4e: {  	[spmem:s4] =	stream.linear.scatter [tilespmem:s30], [sflag:$0x2], $0x10, $0x38;
	[tilespmem:$0x2210] =	vst v63  }
0x4f: {  	_ =	swait.ge [sflag:s31], $0x10  }
0x50: {  	[sflag:s31] =	ssyncset.done $0x0  }
0x51: {  	p0 =	sne.s32 s3, $0x0;
	[sflag:s31] =	ssyncadd.s32 $0xFFFFFFF0  }
0x52: {  	s3 =	simm.s32 @p0 $0x1;
	[bflag:$0x0] =	sbarrier.arrive $0xFFFF  }
0x53: {  	_ =	swait.ge @p0 [sflag:s3], $0x1000  }
0x54: {  	[sflag:s3] =	ssyncset.done @p0 $0x0  }
0x55: {  	[sflag:s3] =	ssyncadd.s32 @p0 $0xFFFFF000  }
0x56: {  	_ =	sfence.sel @p0 $0x180000  }
0x57: {  	[bflag:$0x0] =	sbarrier.arrive @p0 $0xFFFF  }
0x58: {  	v0 =	vlaneseq.u32 @!p0;
	_ =	strace @p0 $0x90000047  }
0x59: {  	v0 =	vmul.u32 @!p0 $0x11, v0;
	s3 =	simm.s32 @!p0 $0x2080;
	[bflag:$0x2] =	sbarrier.arrive @p0 $0xFFFF  }
0x5a: {  	[tilespmem:s3], [sflag:$0x2] =	stream.linear.gather @!p0 [spmem:s2], $0x100, $0x38;
	[tilespmem:$0x2210] =	vst v63  }
0x5b: {  	s2 =	simm.s32 @!p0 $0x2  }
0x5c: {  	_ =	swait.ge @!p0 [sflag:s2], $0x100  }
0x5d: {  	[sflag:s2] =	ssyncset.done @!p0 $0x0  }
0x5e: {  	[sflag:s2] =	ssyncadd.s32 @!p0 $0xFFFFFF00  }
0x5f: {  	v0 =	vld.idx.msk @!p0 [tilespmem:v0+s3+$0x0], $0xffff;
	_ =	sdelay $0x4  }
0x60: {  	(xrf0) =	vadd.scan.msk.s32 @!p0 $0xffff, v0;
	_ =	sdelay $0x5  }
0x61: {  	v1, _, _ =	vpop @!p0 (xrf0)  }
0x62: {  	v0 =	vsub.s32 @!p0 v1, v0;
	v1 =	vbroadcast @!p0 v1, $0xF  }
0x63: {  	[tilespmem:$0x2180] =	vst @!p0 v0  }
0x64: {  	s4 =	simm.s32 @!p0 $0x2180;
	s3 =	simm.s32 @!p0 $0x0;
	[tilespmem:$0x2190] =	vst @!p0 v1  }
0x65: {  	[hbm4b:s1+s3] =	stream.linear.scatter @!p0 [tilespmem:s4], [sflag:$0x2], $0x11, $0x38;
	[tilespmem:$0x2210] =	vst v63  }
0x66: {  	_ =	swait.ge @!p0 [sflag:s2], $0x11  }
0x67: {  	[sflag:s2] =	ssyncset.done @!p0 $0x0  }
0x68: {  	s1 =	simm.s32 @!p0 $0x1;
	[sflag:s2] =	ssyncadd.s32 @!p0 $0xFFFFFFEF  }
0x69: {  	_ =	swait.ge @!p0 [sflag:s1], $0x1000  }
0x6a: {  	[sflag:s1] =	ssyncset.done @!p0 $0x0  }
0x6b: {  	[sflag:s1] =	ssyncadd.s32 @!p0 $0xFFFFF000  }
0x6c: {  	_ =	sfence.sel @!p0 $0x180000  }
0x6d: {  	[bflag:$0x0] =	sbarrier.arrive @!p0 $0xFFFF  }
0x6e: {  	_ =	strace @!p0 $0x90000047  }
0x6f: {  	s0 =	sadd.s32 @!p0 $0x100000, s0;
	[bflag:$0x2] =	sbarrier.arrive @!p0 $0xFFFF  }
0x70: {  	[sflag:s0] =	ssyncadd.tile.s32 @!p0 $0x1;
	_ =	shalt  }
.Lfunc_end2:
_tile_overlayer_lowered:
.L_overlay_start_2:
0x71: {  	(tag) =	ssettag $0x2  }
0x72: {  	s0 =	rddreg [dreg:$0x0];
	s2 =	stileid.u32  }
0x73: {  	s1 =	rddreg [dreg:$0x1];
	p0 =	sne.s32 s2, $0x0  }
0x74: {  	s3 =	rddreg [dreg:$0x2];
	[bflag:$0x3] =	sbarrier.arrive $0xFFFF;
	s2 =	simm.s32 @!p0 $0x1C02  }
0x75: {  	[timem:s3], [sflag:s2] =	dma.local @!p0 [hbm:s0], s1  }
0x76: {  	s0 =	simm.s32 @!p0 $0x2  }
0x77: {  	_ =	swait.ge @!p0 [sflag:s0], s1  }
0x78: {  	s1 =	ssub.s32 @!p0 $0x0, s1;
	[sflag:s0] =	ssyncset.done @!p0 $0x0  }
0x79: {  	[sflag:s0] =	ssyncadd.s32 @!p0 s1  }
0x7a: {  	[bflag:$0x3] =	sbarrier.arrive $0xFFFF  }
0x7b: {  	_ =	shalt  }

</sc_bundles>
